<compile_context>
chip_gen: v7x
topology: tpu7x:2x2x1
jax: 0.10.2.dev20260603
libtpu: 0.0.44.dev20260713+nightly
codegen_flags: <defaults>
</compile_context>

<pallas_src>
import jax
import jax.numpy as jnp
import numpy as np
from jax.experimental import pallas as pl

_T = 25
_CP = 66
_CO = 96
_BB = 128


def _channel_maps():
    used = np.array([6, 7, 8, 9, 10, 11, 12, 13, 14, 15, 16, 17, 21, 22, 23,
                     24, 25, 26, 27, 28, 29, 30, 31, 32, 36, 37, 38, 39, 40,
                     41, 42, 43, 44, 45, 46, 47, 51, 52, 53, 54, 55, 56, 57,
                     58, 59, 63, 64, 65, 66, 67, 68, 75, 76, 77, 78, 79, 80,
                     81, 82, 83, 87, 88, 89, 90, 91, 92])

    def j2i(x):
        return np.concatenate((x * 3, x * 3 + 1, x * 3 + 2))

    idx_copy = j2i(np.array([0, 1, 6, 11]))
    idx_ignore = j2i(np.array([16, 20, 23, 24, 28, 31]))
    idx_equal = j2i(np.array([13, 19, 22, 13, 27, 30]))

    src = np.full(_CO, -1)
    idx = np.full(_CO, -1)
    src[used] = 0
    idx[used] = np.arange(_CP)
    src[idx_copy] = 1
    idx[idx_copy] = idx_copy
    src[idx_ignore] = src[idx_equal]
    idx[idx_ignore] = idx[idx_equal]

    mp = np.zeros((_CP, _CO), np.float32)
    mo = np.zeros((_CO, _CO), np.float32)
    for o in range(_CO):
        if src[o] == 0:
            mp[idx[o], o] = 1.0
        else:
            mo[idx[o], o] = 1.0
    return mp, mo


_MP, _MO = _channel_maps()
_R = np.zeros((_BB * _T, _BB), np.float32)
_R[np.arange(_BB * _T), np.arange(_BB * _T) // _T] = 1.0


def _body(obs_ref, pred_ref, mp_ref, mo_ref, r_ref, out_ref):
    obs_part = jnp.dot(obs_ref[...], mo_ref[...],
                       preferred_element_type=jnp.float32)
    spread = jnp.dot(r_ref[...], obs_part,
                     preferred_element_type=jnp.float32)
    pred_part = jnp.dot(pred_ref[...], mp_ref[...],
                        preferred_element_type=jnp.float32)
    out_ref[...] = pred_part + spread


def kernel(observed_pose, pred_pose):
    B, T, C = pred_pose.shape
    obs_last = observed_pose[:, -1, :]
    pred_rows = pred_pose.reshape(B * T, C)
    rows_per_block = _BB * T
    grid = (B // _BB,)
    out = pl.pallas_call(
        _body,
        grid=grid,
        in_specs=[
            pl.BlockSpec((_BB, _CO), lambda i: (i, 0)),
            pl.BlockSpec((rows_per_block, C), lambda i: (i, 0)),
            pl.BlockSpec((C, _CO), lambda i: (0, 0)),
            pl.BlockSpec((_CO, _CO), lambda i: (0, 0)),
            pl.BlockSpec((rows_per_block, _BB), lambda i: (0, 0)),
        ],
        out_specs=pl.BlockSpec((rows_per_block, _CO), lambda i: (i, 0)),
        out_shape=jax.ShapeDtypeStruct((B * T, _CO), pred_pose.dtype),
    )(obs_last, pred_rows, jnp.asarray(_MP), jnp.asarray(_MO),
      jnp.asarray(_R))
    return out.reshape(B, T, _CO)

# --- scband reference (transcript-rebuilt; emitter-appended) ---
"""Pipeline reference for scband-postprocess-11965778887322 (READ-ONLY COPY).

The authoritative reference and input builder live on the scoring server;
editing this copy changes nothing except your own understanding.
"""

import jax, jax.numpy as jnp
import numpy as np

dim_used = np.array([6, 7, 8, 9, 10, 11, 12, 13, 14, 15, 16, 17, 21, 22, 23, 24, 25, 26, 27, 28, 29, 30, 31, 32, 36, 37, 38, 39, 40, 41, 42, 43, 44, 45, 46, 47, 51, 52, 53, 54, 55, 56, 57, 58, 59, 63, 64, 65, 66, 67, 68, 75, 76, 77, 78, 79, 80, 81, 82, 83, 87, 88, 89, 90, 91, 92])

def joint_to_index(x):
    return np.concatenate((x * 3, x * 3 + 1, x * 3 + 2))

# Standard H3.6M joint handling (HisRepItself convention):
# static joints copied from last observed frame; duplicate joints equated.
joint_to_copy = np.array([0, 1, 6, 11])
joint_to_ignore = np.array([16, 20, 23, 24, 28, 31])
joint_equal = np.array([13, 19, 22, 13, 27, 30])

index_to_copy = joint_to_index(joint_to_copy)
index_to_ignore = joint_to_index(joint_to_ignore)
index_to_equal = joint_to_index(joint_equal)


def setup_inputs(seed: int = 0) -> dict:
    key = jax.random.key(seed)
    k1, k2 = jax.random.split(key)
    observed_pose = jax.random.normal(k1, (16384, 50, 96), dtype=jnp.float32)
    pred_pose = jax.random.normal(k2, (16384, 25, 66), dtype=jnp.float32)
    return {"observed_pose": observed_pose, "pred_pose": pred_pose}


def reference(observed_pose, pred_pose):
    B = pred_pose.shape[0]
    T = pred_pose.shape[1]
    x = jnp.zeros((B, T, 96), dtype=pred_pose.dtype)
    # scatter-overwrite: used dims from predicted pose
    x = x.at[:, :, dim_used].set(pred_pose)
    # scatter-overwrite: static joints copied from last observed frame (broadcast over T)
    last = observed_pose[:, -1:, :][:, :, index_to_copy]
    x = x.at[:, :, index_to_copy].set(jnp.broadcast_to(last, (B, T, index_to_copy.shape[0])))
    # gather + scatter-overwrite: duplicate joints equated
    x = x.at[:, :, index_to_ignore].set(x[:, :, index_to_equal])
    return x

if __name__ == "__main__":
    import jax
    _d = setup_inputs()
    print(jax.jit(kernel)(*tuple(_d.values())))

</pallas_src>

<mosaic_0001>
module attributes {stable_mosaic.version = 14 : i64} {
  func.func @_body(%arg0: i32, %arg1: memref<128x96xf32, #tpu.memory_space<vmem>>, %arg2: memref<3200x66xf32, #tpu.memory_space<vmem>>, %arg3: memref<66x96xf32, #tpu.memory_space<vmem>>, %arg4: memref<96x96xf32, #tpu.memory_space<vmem>>, %arg5: memref<3200x128xf32, #tpu.memory_space<vmem>>, %arg6: memref<3200x96xf32, #tpu.memory_space<vmem>>) attributes {dimension_semantics = [#tpu.dimension_semantics<arbitrary>], iteration_bounds = array<i64: 128>, scalar_prefetch = 0 : i64, scratch_operands = 0 : i64, tpu.core_type = #tpu.core_type<tc>, window_params = [{transform_indices = @transform_0, window_bounds = array<i64: 128, 96>}, {transform_indices = @transform_1, window_bounds = array<i64: 3200, 66>}, {pipeline_mode = #tpu.pipeline_mode<synchronous>, transform_indices = @transform_2, window_bounds = array<i64: 66, 96>}, {pipeline_mode = #tpu.pipeline_mode<synchronous>, transform_indices = @transform_3, window_bounds = array<i64: 96, 96>}, {pipeline_mode = #tpu.pipeline_mode<synchronous>, transform_indices = @transform_4, window_bounds = array<i64: 3200, 128>}, {transform_indices = @transform_5, window_bounds = array<i64: 3200, 96>}]} {
    %get3A = arith.constant 0 : index
    %get3A_0 = arith.constant 0 : index
    %get3A_1 = vector.load %arg1[%get3A, %get3A_0] : memref<128x96xf32, #tpu.memory_space<vmem>>, vector<128x96xf32>
    %get3A_2 = arith.constant 0 : index
    %get3A_3 = arith.constant 0 : index
    %get3A_4 = vector.load %arg4[%get3A_2, %get3A_3] : memref<96x96xf32, #tpu.memory_space<vmem>>, vector<96x96xf32>
    %dot_general3A = arith.constant dense<0.000000e+00> : vector<128x96xf32>
    %dot_general3A_5 = tpu.matmul %get3A_1, %get3A_4, %dot_general3A {dimension_numbers = #tpu.dot_dimension_numbers<[1], [0], [0], [1], [0, 0, 1, 1], [], []>, transpose_lhs_hint = false} : vector<128x96xf32>, vector<96x96xf32>, vector<128x96xf32> -> vector<128x96xf32>
    %get3A_6 = arith.constant 0 : index
    %get3A_7 = arith.constant 0 : index
    %get3A_8 = vector.load %arg5[%get3A_6, %get3A_7] : memref<3200x128xf32, #tpu.memory_space<vmem>>, vector<3200x128xf32>
    %dot_general3A_9 = arith.constant dense<0.000000e+00> : vector<3200x96xf32>
    %dot_general3A_10 = tpu.matmul %get3A_8, %dot_general3A_5, %dot_general3A_9 {dimension_numbers = #tpu.dot_dimension_numbers<[1], [0], [0], [1], [0, 0, 1, 1], [], []>, transpose_lhs_hint = false} : vector<3200x128xf32>, vector<128x96xf32>, vector<3200x96xf32> -> vector<3200x96xf32>
    %get3A_11 = arith.constant 0 : index
    %get3A_12 = arith.constant 0 : index
    %get3A_13 = vector.load %arg2[%get3A_11, %get3A_12] : memref<3200x66xf32, #tpu.memory_space<vmem>>, vector<3200x66xf32>
    %get3A_14 = arith.constant 0 : index
    %get3A_15 = arith.constant 0 : index
    %get3A_16 = vector.load %arg3[%get3A_14, %get3A_15] : memref<66x96xf32, #tpu.memory_space<vmem>>, vector<66x96xf32>
    %dot_general3A_17 = arith.constant dense<0.000000e+00> : vector<3200x96xf32>
    %dot_general3A_18 = tpu.matmul %get3A_13, %get3A_16, %dot_general3A_17 {dimension_numbers = #tpu.dot_dimension_numbers<[1], [0], [0], [1], [0, 0, 1, 1], [], []>, transpose_lhs_hint = false} : vector<3200x66xf32>, vector<66x96xf32>, vector<3200x96xf32> -> vector<3200x96xf32>
    %add3A = arith.addf %dot_general3A_18, %dot_general3A_10 : vector<3200x96xf32>
    %swap3A = arith.constant 0 : index
    %swap3A_19 = arith.constant 0 : index
    %swap3A_20 = vector.load %arg6[%swap3A, %swap3A_19] : memref<3200x96xf32, #tpu.memory_space<vmem>>, vector<3200x96xf32>
    tpu.vector_store %arg6[%swap3A, %swap3A_19], %add3A {strides = array<i32>} : memref<3200x96xf32, #tpu.memory_space<vmem>>, vector<3200x96xf32>,
    return
  }
  func.func @transform_0(%arg0: i32) -> (i32, i32) {
    %c0_i32 = arith.constant 0 : i32
    %c0_i32_0 = arith.constant 0 : i32
    return %arg0, %c0_i32 : i32, i32
  }
  func.func @transform_1(%arg0: i32) -> (i32, i32) {
    %c0_i32 = arith.constant 0 : i32
    %c0_i32_0 = arith.constant 0 : i32
    return %arg0, %c0_i32 : i32, i32
  }
  func.func @transform_2(%arg0: i32) -> (i32, i32) {
    %c0_i32 = arith.constant 0 : i32
    %c0_i32_0 = arith.constant 0 : i32
    %c0_i32_1 = arith.constant 0 : i32
    return %c0_i32, %c0_i32_0 : i32, i32
  }
  func.func @transform_3(%arg0: i32) -> (i32, i32) {
    %c0_i32 = arith.constant 0 : i32
    %c0_i32_0 = arith.constant 0 : i32
    %c0_i32_1 = arith.constant 0 : i32
    return %c0_i32, %c0_i32_0 : i32, i32
  }
  func.func @transform_4(%arg0: i32) -> (i32, i32) {
    %c0_i32 = arith.constant 0 : i32
    %c0_i32_0 = arith.constant 0 : i32
    %c0_i32_1 = arith.constant 0 : i32
    return %c0_i32, %c0_i32_0 : i32, i32
  }
  func.func @transform_5(%arg0: i32) -> (i32, i32) {
    %c0_i32 = arith.constant 0 : i32
    %c0_i32_0 = arith.constant 0 : i32
    return %arg0, %c0_i32 : i32, i32
  }
}

</mosaic_0001>

<sc_bundles>
// kernel: sparse-core-data-format-call.cloned.1.call-start
scs
called_computation_lowered:
.L_overlay_start_0:
0x0: {  	s2 =	sld [smem:$0x3FD9]  }
0x1: {  	s3 =	sld [smem:$0x3FFE];
	_ =	sdelay $0x1  }
0x2: {  	s1 =	srdreg.scid  }
0x3: {  	s0 =	sand.u32 $0x1, s1  }
0x4: {  	s18 =	sshll.u32 s0, $0xA;
	s2 =	sadd.s32 s3, s2  }
0x5: {  	s2 =	sadd.s32 s2, s18  }
0x6: {  	[smem:$0x3FC6] =	sst s2  }
0x7: {  	_ = 	snop  }
0x8: {  	s2 =	sld [smem:$0x3FD0];
	(tm) =	ssettm $0x1  }
0x9: {  	s19 =	sld [smem:$0x3FFB];
	_ =	sdelay $0x3  }
0xa: {  	_ =	strace s19  }
0xb: {  	s3 =	sld [smem:$0x3FFC];
	_ =	sdelay $0x3  }
0xc: {  	_ =	strace s3  }
0xd: {  	s3 =	sld [smem:$0x3FFD];
	_ =	sdelay $0x3  }
0xe: {  	_ =	strace s3  }
0xf: {  	_ =	strace $0x8FFFFFFF  }
0x10: {  	s20 =	sld [smem:$0x3FDB];
	_ =	sdelay $0x1  }
0x11: {  	s4 =	simm.s32 $_scs_section_size  }
0x12: {  	s5 =	simm.s32 $_size__tile_overlayer_lowered;
	s6 =	simm.s32 $_tile_overlayer_lowered  }
0x13: {  	s23 =	simm.s32 $0x1BFF;
	s22 =	sshll.u32 s6, $0x1;
	s3 =	sadd.s32 s4, s20  }
0x14: {  	s7 =	simm.s32 $0x0;
	s21 =	sshll.u32 s5, $0x1;
	s5 =	sadd.s32 s22, s3  }
0x15: {  	[timem:s7], [sflag:s23] =	dma.local [hbm:s5], s21  }
0x16: {  	_ =	swait.ge [sflag:s23], s21  }
0x17: {  	s4 =	ssub.s32 $0x0, s21;
	[sflag:s23] =	ssyncset.done $0x0  }
0x18: {  	[sflag:s23] =	ssyncadd.s32 s4;
	_ =	sdelay $0x1  }
0x19: {  	s24 =	simm.s32 $0x1B8B  }
0x1a: {  	_ =	swait.ge [sflag:s24], $0x1  }
0x1b: {  	[sflag:s24] =	ssyncset.done $0x0  }
0x1c: {  	s26 =	simm.s32 $0x1B8E;
	s25 =	sld [smem:$0x3FFE];
	[sflag:s24] =	ssyncadd.s32 $0xFFFFFFFF  }
0x1d: {  	s27 =	simm.s32 $execute0_lowered;
	[smem:$0x3FD2] =	sst s26  }
0x1e: {  	s5 =	sshll.u32 s27, $0x1;
	_ =	strace $0x80000046;
	[dreg:$0x1] =	wrdreg $0xFFFFFFFF  }
0x1f: {  	s28 =	simm.s32 $_size_execute0_lowered;
	s3 =	sadd.s32 s3, s5;
	[dreg:$0x0] =	wrdreg $0x0  }
0x20: {  	s5 =	sshll.u32 s28, $0x1;
	[dreg:$0x2] =	wrdreg s3  }
0x21: {  	[dreg:$0x3] =	wrdreg s5  }
0x22: {  	[dreg:$0x4] =	wrdreg $0xC0  }
0x23: {  	_ =	task [dreg:s7], $0x5FFFF  }
0x24: {  	[dreg:$0x1] =	wrdreg $0xFFFFFFFF  }
0x25: {  	[dreg:$0x0] =	wrdreg $0x60  }
0x26: {  	[dreg:$0x2] =	wrdreg s25  }
0x27: {  	[dreg:$0x3] =	wrdreg s2  }
0x28: {  	[dreg:$0x4] =	wrdreg $0x9  }
0x29: {  	_ =	task.clear_ibuf [dreg:s7], $0x5FFFF;
	_ =	strace $0x90000046  }
0x2a: {  	s29 =	simm.s32 $0x9;
	_ =	strace $0x80000048  }
0x2b: {  	_ =	swait.ge [sflag:s29], $0x1  }
0x2c: {  	[sflag:s29] =	ssyncadd.s32 $0xFFFFFFFF  }
0x2d: {  	_ =	strace $0x90000048  }
0x2e: {  	_ =	sfence  }
0x2f: {  	s30 =	sld [smem:$0x0];
	_ =	sdelay $0x2  }
0x30: {  	s31 =	sshll.u32 s1, $0xD;
	s1 =	sshrl.u32 s1, $0x2  }
0x31: {  	s3 =	sand.u32 $0x4000, s31;
	s1 =	sadd.s32 s1, s30  }
0x32: {  	s0 =	sor.u32 s3, s0;
	s1 =	sshll.u32 s1, $0x11  }
0x33: {  	s0 =	sor.u32 s1, s0  }
0x34: {  	s0 =	sadd.s32 $0x8F2B, s0  }
0x35: {  	[sflag:s0] =	ssyncadd.remote.s32 $0x1  }
0x36: {  	_ =	sfence.sel $0xFFFF  }
0x37: {  	[dreg:$0x0] =	wrdreg $0xFFFFFFFF;
	(pc) =	sbr.abs _section_cstart, $3  }
0x38: {  	[dreg:$0x1] =	wrdreg $0xFFFFFFFF  }
0x39: {  	_ =	task.clear_ibuf [dreg:s7], $0x2FFFF;
	_ =	strace $0x9FFFFFFF  }
0x3a: {  	(tm) =	ssettm $0x7FFFFFFF  }
0x3b: {  	_ =	shalt  }
tec
execute0_lowered:
.L_overlay_start_1:
0x0: {  	(tag) =	ssettag $0x1  }
0x1: {  	s0 =	srdreg.scid  }
0x2: {  	s1 =	sshll.u32 s0, $0x4  }
0x3: {  	s6 =	rddreg [dreg:$0x0];
	s0 =	stileid.u32;
	s1 =	sand.u32 $0x10, s1  }
0x4: {  	s3 =	rddreg [dreg:$0x1];
	s1 =	sor.u32 s0, s1  }
0x5: {  	s5 =	simm.s32 $0x1;
	s31 =	simm.s32 $0x2;
	s2 =	sshll.u32 s1, $0x7  }
0x6: {  	s15 =	simm.s32 $0x0;
	s8 =	simm.s32 $0x20000;
	s4 =	ssub.s32 $0x4000, s2  }
0x7: {  	s14 =	simm.s32 $0x0;
	s9 =	simm.s32 $0x0;
	s30 =	sand.u32 $0xF80, s4  }
0x8: {  	s10 =	simm.s32 $0x0;
	s11 =	simm.s32 $0x0;
	p0 =	sne.s32 s30, $0x0  }
.Ltmp0:
0x9: {  	s7 =	sshrl.u32 s4, $0xC;
	s5 =	simm.s32 @!p0 $0x0;
	(pc) =	sbr.rel .LBB1_1-.Ltmp0, $4  }
0xa: {  	s13 =	simm.s32 $0x0;
	s1 =	rddreg [dreg:$0x2];
	s5 =	sadd.s32 s5, s7  }
0xb: {  	_ =	strace $0x80000047;
	s4 =	simm.s32 $0x1;
	s5 =	smul.u32 $0x19, s5  }
0xc: {  	s6 =	sadd.s32 $0x640E00, s6;
	s12 =	smov.u32 s2;
	[sflag:s4] =	ssyncpa.u1 $0x0  }
0xd: {  	[sflag:s31] =	ssyncpa.u1 $0x0;
	p0 =	por $0x0, $0x0;
	s7 =	sadd.s32 $0x1, s5  }
.LBB1_4:
0xe: {  	s20 =	sshra.s32 s20, $0x2;
	s28 =	sshll.u32 s10, $0x3;
	p1 =	sgt.s32 s9, $0x18  }
0xf: {  	s21 =	smov.u32 s9;
	s23 =	sshra.s32 s9, $0x1F;
	s24 =	smov.u32 s10  }
0x10: {  	v5 =	vld [tilespmem:s17+$0xFFFFFFD0];
	[tilespmem:s18+$0x2040 ss:$0x81] =	vst.msk $0xffff, v4;
	s25 =	sshra.s32 s10, $0x1F;
	s26 =	sand.u32 $0x78, s10;
	s19 =	sadd.s32 s20, s19  }
0x11: {  	v58 =	vld [tilespmem:s17+$0xFFFFFFE0];
	[tilespmem:s18+$0x2850 ss:$0x81] =	vst.msk $0xffff, v3;
	s22 =	sshrl.u32 s28, $0xE;
	s21 =	simm.s32 @!p1 $0x18;
	s23 =	sand.u32 s23, s9  }
0x12: {  	v59 =	vld [tilespmem:s17+$0xFFFFFFF0];
	[tilespmem:s18+$0x3060 ss:$0x81] =	vst.msk $0xffff, v2;
	p1 =	sgt.s32 s10, $0x3F80;
	s29 =	sand.u32 s25, s10;
	s20 =	sand.u32 $0x3C00, s28  }
0x13: {  	v60 =	vld [tilespmem:s17+$0x0];
	[tilespmem:s18+$0x0 ss:$0x81] =	vst.msk $0xffff, v0;
	s28 =	smul.u32 $0x30000, s9;
	s21 =	ssub.s32 s21, s23;
	s24 =	simm.s32 @!p1 $0x3F80  }
0x14: {  	v61 =	vld [tilespmem:s17+$0x10];
	s30 =	smulhi.u32 $0x2AAAAAB, s22;
	[tilespmem:s19+$0x3870 ss:$0x81] =	vst.msk $0xffff, v1;
	s20 =	sor.u32 s26, s20;
	s31 =	ssub.s32 $0x19, s21  }
0x15: {  	v62 =	vld [tilespmem:s17+$0x20];
	s23 =	ssub.s32 s24, s29;
	s21 =	sadd.s32 $0xFFFFFFE8, s21;
	s25 =	smul.u32 $0x60, s31;
	[tilespmem:s19+$0x810 ss:$0x81] =	vst.msk $0xffff, v5  }
0x16: {  	v63 =	vld [tilespmem:s17+$0xFFFFFFC0];
	s18 =	smul.u32 $0x60, s30;
	p1 =	sgt.s32 s21, $0x0;
	s27 =	sadd.s32 $0xFFFFC080, s23;
	[tilespmem:s19+$0x1020 ss:$0x81] =	vst.msk $0xffff, v58  }
0x17: {  	s17 =	ssub.s32 $0x4000, s23;
	[tilespmem:s19+$0x1830 ss:$0x81] =	vst.msk $0xffff, v59;
	s25 =	simm.s32 @p1 $0x0;
	p1 =	sgt.s32 s27, $0x7F  }
0x18: {  	s29 =	sand.u32 $0x7, s10;
	[tilespmem:s19+$0x2040 ss:$0x81] =	vst.msk $0xffff, v60;
	s18 =	ssub.s32 s22, s18;
	s17 =	simm.s32 @p1 $0x0  }
0x19: {  	s21 =	sadd.s32 s3, s28;
	[tilespmem:s19+$0x2850 ss:$0x81] =	vst.msk $0xffff, v61;
	s18 =	sshll.u32 s18, $0xB;
	s17 =	smul.u32 s17, s25  }
0x1a: {  	s20 =	sshrl.u32 s20, $0x3;
	s30 =	sshll.u32 s29, $0x12;
	[tilespmem:s19+$0x3060 ss:$0x81] =	vst.msk $0xffff, v62;
	s18 =	sadd.s32 s18, s21  }
0x1b: {  	[tilespmem:s19+$0x0 ss:$0x81] =	vst.msk $0xffff, v63;
	s31 =	sor.u32 $0x400, s30;
	s18 =	sadd.s32 s20, s18;
	s17 =	sand.u32 $0x3FFFFFE0, s17  }
0x1c: {  	[hbm4b:s18+s31] =	stream.strided.scatter [tilespmem:s16], [sflag:$0x2], s17, s8, s31, $0x20;
	[tilespmem:$0x10100] =	vst v63  }
.LBB1_5:
0x1d: {  	p1 =	slt.u32 s13, $0x2  }
0x1e: {  	s17 =	smov.u32 s15;
	p2 =	sgt.s32 @!p1 s15, $0x18;
	s16 =	sshra.s32 @!p1 s15, $0x1F  }
0x1f: {  	p3 =	sgt.s32 @!p1 s14, $0x3F80;
	s18 =	sshra.s32 @!p1 s14, $0x1F;
	p2 =	por !p2, p1  }
0x20: {  	s15 =	sand.u32 @!p1 s16, s15;
	p3 =	por !p3, p1;
	s16 =	smov.u32 s14  }
0x21: {  	s14 =	sand.u32 @!p1 s18, s14;
	s17 =	simm.s32 @p2 $0x18;
	s16 =	simm.s32 @p3 $0x3F80  }
0x22: {  	s18 =	smov.u32 s12;
	s15 =	ssub.s32 @!p1 s17, s15;
	s14 =	ssub.s32 @!p1 s16, s14  }
0x23: {  	s16 =	sadd.s32 @!p1 $0xFFFFFFE8, s15;
	s15 =	ssub.s32 @!p1 $0x19, s15;
	s17 =	sadd.s32 @!p1 $0xFFFFC080, s14  }
0x24: {  	p2 =	sgt.s32 @!p1 s16, $0x0;
	s15 =	smul.u32 @!p1 $0x60, s15;
	p3 =	sgt.s32 @!p1 s17, $0x7F  }
0x25: {  	s14 =	ssub.s32 @!p1 $0x4000, s14;
	p2 =	por !p2, p1;
	p3 =	por !p3, p1  }
0x26: {  	s16 =	sadd.s32 $0x1, s11;
	s15 =	simm.s32 @!p2 $0x0;
	s14 =	simm.s32 @!p3 $0x0  }
0x27: {  	p2 =	sgt.s32 s16, $0x18;
	s14 =	smul.u32 @!p1 s14, s15;
	s15 =	sadd.s32 $0x1000, s12  }
0x28: {  	s18 =	smov.u32 @p2 s15  }
0x29: {  	s16 =	simm.s32 @p2 $0x0;
	p2 =	sgt.s32 s18, $0x3FFF  }
0x2a: {  	s18 =	smov.u32 @p2 s2;
	p2 =	sne.s32 s13, s7  }
.Ltmp1:
0x2b: {  	p0 =	por !p0, !p0;
	s17 =	simm.s32 @!p1 $0x2;
	(pc) =	sbr.rel @!p2 .LBB1_6-.Ltmp1, $4  }
0x2c: {  	s15 =	smov.u32 s9;
	s9 =	smov.u32 s11;
	s14 =	sand.u32 @!p1 $0x3FFFFFE0, s14  }
0x2d: {  	s11 =	smov.u32 s16;
	_ =	swait.ge @!p1 [sflag:s17], s14;
	s19 =	ssub.s32 @!p1 $0x0, s14  }
0x2e: {  	s14 =	smov.u32 s10;
	s13 =	sadd.s32 $0x1, s13;
	[sflag:s17] =	ssyncset.done @!p1 $0x0  }
0x2f: {  	s10 =	smov.u32 s12;
	s12 =	smov.u32 s18;
	[sflag:s17] =	ssyncadd.s32 @!p1 s19  }
.LBB1_1:
0x30: {  	p1 =	sge.u32 s13, s5  }
0x31: {  	s31 =	sadd.s32 $0xFFFFFFFF, s13;
	s16 =	sxor.u32 @!p1 $0xFFFFFFFF, s13  }
0x32: {  	s17 =	sshll.u32 @!p1 s12, $0x9;
	s18 =	sshll.u32 @!p1 s11, $0x4;
	s19 =	simm.s32 @!p1 $0x1000  }
0x33: {  	s16 =	sshll.u32 @!p1 s16, $0xE;
	s18 =	sand.u32 @!p1 $0x1F0, s18;
	s17 =	sadd.s32 @!p1 s6, s17  }
0x34: {  	s16 =	sand.u32 @!p1 $0x4000, s16;
	s17 =	sadd.s32 @!p1 s18, s17;
	s18 =	simm.s32 @!p1 $0x80  }
0x35: {  	[tilespmem:s16], [sflag:$0x1] =	stream.strided.gather @!p1 [hbm4b:s17+s18], $0x4000, s19, s18, $0x38;
	[tilespmem:$0x10100] =	vst v63  }
0x36: {  	p1 =	sge.u32 s31, s5  }
.Ltmp2:
0x37: {  	_ = 	snop;
	(pc) =	sbr.rel @p1 .LBB1_5-.Ltmp2, $1  }
0x38: {  	_ =	sdelay $0x3  }
0x39: {  	s16 =	simm.s32 $0x1  }
0x3a: {  	_ =	swait.ge [sflag:s4], $0x4000;
	s16 =	simm.s32 @!p0 $0x0  }
0x3b: {  	[sflag:s4] =	ssyncset.done $0x0;
	s17 =	sshll.u32 s16, $0xE  }
0x3c: {  	[sflag:s4] =	ssyncadd.s32 $0xFFFFC000;
	s17 =	sor.u32 $0x40, s17  }
0x3d: {  	s16 =	smul.u32 $0x10200, s16;
	v0 =	vld [tilespmem:s17+$0x30]  }
0x3e: {  	v1 =	vld [tilespmem:s17+$0xFFFFFFD0]  }
0x3f: {  	s16 =	sshrl.u32 s16, $0x2;
	v5 =	vld [tilespmem:s17+$0xFFFFFFE0]  }
0x40: {  	v6 =	vld [tilespmem:s17+$0xFFFFFFF0];
	s19 =	sor.u32 $0x8000, s16  }
0x41: {  	s31 =	sand.u32 $0x1, s13;
	v4 =	vld [tilespmem:s17+$0x0];
	s18 =	sadd.s32 $0x0, s19  }
0x42: {  	v3 =	vld [tilespmem:s17+$0x10];
	s16 =	smul.u32 $0x10200, s31;
	[tilespmem:s18+$0x3870 ss:$0x81] =	vst.msk $0xffff, v0  }
0x43: {  	v2 =	vld [tilespmem:s17+$0x20];
	[tilespmem:s18+$0x810 ss:$0x81] =	vst.msk $0xffff, v1  }
0x44: {  	s16 =	sshrl.u32 s16, $0x2;
	v0 =	vld [tilespmem:s17+$0xFFFFFFC0];
	[tilespmem:s18+$0x1020 ss:$0x81] =	vst.msk $0xffff, v5;
	s17 =	sadd.s32 $0x80, s17  }
0x45: {  	s20 =	simm.s32 $0x4;
	s21 =	simm.s32 $0x8;
	s16 =	sor.u32 $0x8000, s16;
	[tilespmem:s18+$0x1830 ss:$0x81] =	vst.msk $0xffff, v6;
	v1 =	vld [tilespmem:s17+$0x30]  }
.LBB1_3:
0x46: {  	p1 =	sne.s32 s21, $0x1FC;
	v5 =	vld [tilespmem:s17+$0xFFFFFFD0];
	[tilespmem:s18+$0x2040 ss:$0x81] =	vst.msk $0xffff, v4  }
0x47: {  	v6 =	vld [tilespmem:s17+$0xFFFFFFE0];
	[tilespmem:s18+$0x2850 ss:$0x81] =	vst.msk $0xffff, v3  }
0x48: {  	s22 =	sshra.s32 s20, $0x2;
	s20 =	smov.u32 s21;
	v7 =	vld [tilespmem:s17+$0xFFFFFFF0];
	[tilespmem:s18+$0x3060 ss:$0x81] =	vst.msk $0xffff, v2  }
.Ltmp3:
0x49: {  	v4 =	vld [tilespmem:s17+$0x0];
	[tilespmem:s18+$0x0 ss:$0x81] =	vst.msk $0xffff, v0;
	s18 =	sadd.s32 s22, s19;
	(pc) =	sbr.rel @p1 .LBB1_3-.Ltmp3, $4  }
0x4a: {  	v3 =	vld [tilespmem:s17+$0x10];
	[tilespmem:s18+$0x3870 ss:$0x81] =	vst.msk $0xffff, v1  }
0x4b: {  	[tilespmem:s18+$0x810 ss:$0x81] =	vst.msk $0xffff, v5;
	v2 =	vld [tilespmem:s17+$0x20]  }
0x4c: {  	v0 =	vld [tilespmem:s17+$0xFFFFFFC0];
	[tilespmem:s18+$0x1020 ss:$0x81] =	vst.msk $0xffff, v6;
	s17 =	sadd.s32 $0x80, s17  }
0x4d: {  	s21 =	sadd.s32 $0x4, s21;
	v1 =	vld [tilespmem:s17+$0x30];
	[tilespmem:s18+$0x1830 ss:$0x81] =	vst.msk $0xffff, v7  }
.Ltmp4:
0x4e: {  	_ = 	snop;
	(pc) =	sbr.rel .LBB1_4-.Ltmp4, $1  }
0x4f: {  	_ =	sdelay $0x3  }
.LBB1_6:
0x50: {  	_ =	sfence.sel $0x180000  }
0x51: {  	s2 =	simm.s32 $0x1;
	[bflag:$0x0] =	sbarrier.arrive $0xFFFF  }
0x52: {  	s31 =	simm.s32 $0x2;
	[sflag:s2] =	ssyncpa.u1 $0x1  }
0x53: {  	[sflag:s31] =	ssyncpa.u1 $0x1  }
0x54: {  	p0 =	sne.s32 s0, $0x0;
	_ =	strace $0x90000047  }
0x55: {  	s0 =	sadd.s32 @!p0 $0x100000, s1;
	[bflag:$0x2] =	sbarrier.arrive $0xFFFF  }
0x56: {  	[sflag:s0] =	ssyncadd.tile.s32 @!p0 $0x1;
	_ =	shalt  }
.Lfunc_end1:
_tile_overlayer_lowered:
.L_overlay_start_2:
0x57: {  	(tag) =	ssettag $0x2  }
0x58: {  	s0 =	rddreg [dreg:$0x0];
	s2 =	stileid.u32  }
0x59: {  	s1 =	rddreg [dreg:$0x1];
	p0 =	sne.s32 s2, $0x0  }
0x5a: {  	s3 =	rddreg [dreg:$0x2];
	[bflag:$0x3] =	sbarrier.arrive $0xFFFF;
	s2 =	simm.s32 @!p0 $0x1C01  }
0x5b: {  	[timem:s3], [sflag:s2] =	dma.local @!p0 [hbm:s0], s1  }
0x5c: {  	s0 =	simm.s32 @!p0 $0x1  }
0x5d: {  	_ =	swait.ge @!p0 [sflag:s0], s1  }
0x5e: {  	s1 =	ssub.s32 @!p0 $0x0, s1;
	[sflag:s0] =	ssyncset.done @!p0 $0x0  }
0x5f: {  	[sflag:s0] =	ssyncadd.s32 @!p0 s1  }
0x60: {  	[bflag:$0x3] =	sbarrier.arrive $0xFFFF  }
0x61: {  	_ =	shalt  }

</sc_bundles>
